<compile_context>
chip_gen: v7x
topology: tpu7x:2x2x1
jax: 0.10.2.dev20260603
libtpu: 0.0.44.dev20260713+nightly
codegen_flags: <defaults>
</compile_context>

<pallas_src>
import functools

import jax
import jax.numpy as jnp
from jax import lax
from jax.experimental import pallas as pl
from jax.experimental.pallas import tpu as pltpu
from jax.experimental.pallas import tpu_sc as plsc

_B = 1024
_D = 128

_info = plsc.get_sparse_core_info()
_NC = _info.num_cores
_NS = _info.num_subcores
_NW = _NC * _NS
_BPW = _B // _NW

_mesh = plsc.VectorSubcoreMesh(core_axis_name="c", subcore_axis_name="s")


def _log_sigmoid_vec(x):
    e = jnp.exp(-jnp.abs(x))
    s = e / (e + 2.0)
    s2 = s * s
    log1p_e = 2.0 * s * (1.0 + s2 * (1.0 / 3.0 + s2 * (1.0 / 5.0)))
    return jnp.minimum(x, 0.0) - log1p_e


@functools.partial(
    pl.kernel,
    mesh=_mesh,
    out_type=jax.ShapeDtypeStruct((_B, _D), jnp.float32),
    scratch_types=[
        pltpu.VMEM((_BPW,), jnp.int32),
        pltpu.VMEM((_BPW, _D), jnp.float32),
        pltpu.SemaphoreType.DMA,
    ],
)
def _sc_skipgram(idx_hbm, table_hbm, out_hbm, idx_v, rows_v, sem):
    wid = lax.axis_index("s") * _NC + lax.axis_index("c")
    base = wid * _BPW
    pltpu.sync_copy(idx_hbm.at[pl.ds(base, _BPW)], idx_v)
    pltpu.async_copy(table_hbm.at[idx_v], rows_v, sem).wait()

    def row_body(i, _):
        for j in range(_D // 16):
            sl = pl.ds(j * 16, 16)
            rows_v[i, sl] = _log_sigmoid_vec(rows_v[i, sl])
        return 0

    lax.fori_loop(0, _BPW, row_body, 0, unroll=False)
    pltpu.sync_copy(rows_v, out_hbm.at[pl.ds(base, _BPW)])


def kernel(center, context, embed_weight):
    del context
    out = _sc_skipgram(center.astype(jnp.int32), embed_weight)
    return out.reshape(1, _B * _D)

# --- scband reference (transcript-rebuilt; emitter-appended) ---
"""Pipeline reference for scband-skip-gram-model-39857296507403 (READ-ONLY COPY).

The authoritative reference and input builder live on the scoring server;
editing this copy changes nothing except your own understanding.
"""

import jax, jax.numpy as jnp
import numpy as np

LEN_VOCAB = 100000
LEN_EMBED = 128
BATCH = 1024

def setup_inputs(seed: int = 0) -> dict:
    key = jax.random.key(seed)
    k1, k2, k3 = jax.random.split(key, 3)
    center = jax.random.randint(k1, (BATCH,), 0, LEN_VOCAB, dtype=jnp.int64 if jax.config.jax_enable_x64 else jnp.int32)
    context = jax.random.randint(k2, (BATCH,), 0, LEN_VOCAB, dtype=jnp.int64 if jax.config.jax_enable_x64 else jnp.int32)
    embed_weight = jax.random.normal(k3, (LEN_VOCAB, LEN_EMBED), dtype=jnp.float32)
    return {"center": center, "context": context, "embed_weight": embed_weight}

def reference(center, context, embed_weight):
    # temp_center = self.embed(center)
    temp_center = jnp.take(embed_weight, center, axis=0)
    # temp_center = temp_center.view((1, -1))
    temp_center = temp_center.reshape((1, -1))
    # temp_context = self.embed(context)
    temp_context = jnp.take(embed_weight, context, axis=0)
    # temp_context = temp_context.view((1, -1)); temp_context = torch.t(temp_context)
    temp_context = temp_context.reshape((1, -1)).T
    # log_probs = F.logsigmoid(temp_center)
    log_probs = jax.nn.log_sigmoid(temp_center)
    return log_probs

if __name__ == "__main__":
    import jax
    _d = setup_inputs()
    print(jax.jit(kernel)(*tuple(_d.values())))

</pallas_src>

<mosaic_0001>
#map = affine_map<(d0, d1) -> (0)>
#map1 = affine_map<(d0, d1) -> (0, 0)>
module attributes {stable_mosaic.version = 14 : i64} {
  func.func @_sc_skipgram(%arg0: i32, %arg1: i32, %arg2: memref<1024xi32, #tpu.memory_space<hbm>>, %arg3: memref<100000x128xf32, #tpu.memory_space<hbm>>, %arg4: memref<1024x128xf32, #tpu.memory_space<hbm>>, %arg5: memref<32xi32, #tpu.memory_space<vmem>>, %arg6: memref<32x128xf32, #tpu.memory_space<vmem>>, %arg7: memref<!tpu.dma_semaphore, #tpu.memory_space<semaphore_mem>>) attributes {dimension_semantics = [#tpu.dimension_semantics<core_parallel>, #tpu.dimension_semantics<subcore_parallel>], iteration_bounds = array<i64: 2, 16>, scalar_prefetch = 0 : i64, scratch_operands = 3 : i64, tpu.core_type = #tpu.core_type<sc_vector_subcore>, window_params = [{transform_indices = #map}, {transform_indices = #map1}, {transform_indices = #map1}]} {
    %mul3A = arith.constant 2 : i32
    %mul3A_0 = arith.muli %arg1, %mul3A : i32
    %add3A = arith.addi %mul3A_0, %arg0 : i32
    %mul3A_1 = arith.constant 32 : i32
    %mul3A_2 = arith.muli %add3A, %mul3A_1 : i32
    "tpu.region"() ({
      %run_scoped3A = tpu.sem_alloc : memref<!tpu.dma_semaphore, #tpu.memory_space<semaphore_mem>>
      %dma_start3A_13 = tpu.memref_slice %arg2[%mul3A_2] : memref<1024xi32, #tpu.memory_space<hbm>> -> memref<32xi32, #tpu.memory_space<hbm>>
      %dma_start3A_14 = tpu.memref_slice %arg2[%mul3A_2] : memref<1024xi32, #tpu.memory_space<hbm>> -> memref<32xi32, #tpu.memory_space<hbm>>
      tpu.enqueue_dma source(%dma_start3A_14 : memref<32xi32, #tpu.memory_space<hbm>>) target(%arg5 : memref<32xi32, #tpu.memory_space<vmem>>) target_semaphore(%run_scoped3A : memref<!tpu.dma_semaphore, #tpu.memory_space<semaphore_mem>>)
      %dma_wait3A_15 = tpu.memref_slice %arg2[%mul3A_2] : memref<1024xi32, #tpu.memory_space<hbm>> -> memref<32xi32, #tpu.memory_space<hbm>>
      %dma_wait3A_16 = tpu.memref_slice %arg2[%mul3A_2] : memref<1024xi32, #tpu.memory_space<hbm>> -> memref<32xi32, #tpu.memory_space<hbm>>
      tpu.wait_dma2 semaphore(%run_scoped3A : memref<!tpu.dma_semaphore, #tpu.memory_space<semaphore_mem>>) src(%dma_wait3A_16 : memref<32xi32, #tpu.memory_space<hbm>>) dst(%arg5 : memref<32xi32, #tpu.memory_space<vmem>>)
      tpu.yield
    }) : () -> ()
    %dma_start3A = arith.constant 0 : i32
    %dma_start3A_3 = arith.constant 0 : i32
    %dma_start3A_4 = tpu.memref_slice %arg3[%dma_start3A, %dma_start3A_3] : memref<100000x128xf32, #tpu.memory_space<hbm>> -> memref<100000x128xf32, #tpu.memory_space<hbm>>
    tpu.enqueue_indirect_dma source(%dma_start3A_4 : memref<100000x128xf32, #tpu.memory_space<hbm>>) target(%arg6 : memref<32x128xf32, #tpu.memory_space<vmem>>) offsets(%arg5 : memref<32xi32, #tpu.memory_space<vmem>>) semaphore(%arg7 : memref<!tpu.dma_semaphore, #tpu.memory_space<semaphore_mem>>)
    %dma_wait3A = arith.constant 0 : i32
    %dma_wait3A_5 = arith.constant 0 : i32
    %dma_wait3A_6 = tpu.memref_slice %arg3[%dma_wait3A, %dma_wait3A_5] : memref<100000x128xf32, #tpu.memory_space<hbm>> -> memref<100000x128xf32, #tpu.memory_space<hbm>>
    tpu.wait_indirect_dma semaphore(%arg7 : memref<!tpu.dma_semaphore, #tpu.memory_space<semaphore_mem>>) src(%dma_wait3A_6 : memref<100000x128xf32, #tpu.memory_space<hbm>>) dst(%arg6 : memref<32x128xf32, #tpu.memory_space<vmem>>)
    %scan3A = arith.constant 0 : i32
    %scan3A_7 = arith.constant 0 : i32
    %scan3A_8 = arith.constant 32 : i32
    %scan3A_9 = arith.addi %scan3A_7, %scan3A_8 : i32
    %scan3A_10 = arith.constant 1 : i32
    %scan3A_11 = scf.for %scan3A_13 = %scan3A_7 to %scan3A_9 step %scan3A_10 iter_args(%scan3A_14 = %scan3A) -> (i32)  : i32 {
      %get3A = arith.index_cast %scan3A_13 : i32 to index
      %get3A_15 = arith.constant 0 : index
      %get3A_16 = tpu.vector_load %arg6[%get3A, %get3A_15] {strides = array<i32>} : memref<32x128xf32, #tpu.memory_space<vmem>>, vector<1x16xf32>,
      %get3A_17 = vector.shape_cast %get3A_16 : vector<1x16xf32> to vector<16xf32>
      %abs3A = math.absf %get3A_17 : vector<16xf32>
      %neg3A = arith.constant 0.000000e+00 : f32
      %neg3A_18 = vector.broadcast %neg3A : f32 to vector<16xf32>
      %neg3A_19 = arith.subf %neg3A_18, %abs3A : vector<16xf32>
      %exp3A = math.exp %neg3A_19 : vector<16xf32>
      %add3A_20 = arith.constant 2.000000e+00 : f32
      %add3A_21 = vector.broadcast %add3A_20 : f32 to vector<16xf32>
      %add3A_22 = arith.addf %exp3A, %add3A_21 : vector<16xf32>
      %div3A = arith.divf %exp3A, %add3A_22 : vector<16xf32>
      %mul3A_23 = arith.mulf %div3A, %div3A : vector<16xf32>
      %mul3A_24 = arith.constant 2.000000e+00 : f32
      %mul3A_25 = vector.broadcast %mul3A_24 : f32 to vector<16xf32>
      %mul3A_26 = arith.mulf %mul3A_25, %div3A : vector<16xf32>
      %mul3A_27 = arith.constant 2.000000e-01 : f32
      %mul3A_28 = vector.broadcast %mul3A_27 : f32 to vector<16xf32>
      %mul3A_29 = arith.mulf %mul3A_23, %mul3A_28 : vector<16xf32>
      %add3A_30 = arith.constant 0.333333343 : f32
      %add3A_31 = vector.broadcast %add3A_30 : f32 to vector<16xf32>
      %add3A_32 = arith.addf %add3A_31, %mul3A_29 : vector<16xf32>
      %mul3A_33 = arith.mulf %mul3A_23, %add3A_32 : vector<16xf32>
      %add3A_34 = arith.constant 1.000000e+00 : f32
      %add3A_35 = vector.broadcast %add3A_34 : f32 to vector<16xf32>
      %add3A_36 = arith.addf %add3A_35, %mul3A_33 : vector<16xf32>
      %mul3A_37 = arith.mulf %mul3A_26, %add3A_36 : vector<16xf32>
      %min3A = arith.constant 0.000000e+00 : f32
      %min3A_38 = vector.broadcast %min3A : f32 to vector<16xf32>
      %min3A_39 = arith.minimumf %get3A_17, %min3A_38 : vector<16xf32>
      %sub3A = arith.subf %min3A_39, %mul3A_37 : vector<16xf32>
      %swap3A = arith.index_cast %scan3A_13 : i32 to index
      %swap3A_40 = arith.constant 0 : index
      %swap3A_41 = tpu.vector_load %arg6[%swap3A, %swap3A_40] {strides = array<i32>} : memref<32x128xf32, #tpu.memory_space<vmem>>, vector<1x16xf32>,
      %swap3A_42 = vector.shape_cast %swap3A_41 : vector<1x16xf32> to vector<16xf32>
      %swap3A_43 = vector.shape_cast %sub3A : vector<16xf32> to vector<1x16xf32>
      tpu.vector_store %arg6[%swap3A, %swap3A_40], %swap3A_43 {strides = array<i32>} : memref<32x128xf32, #tpu.memory_space<vmem>>, vector<1x16xf32>,
      %get3A_44 = arith.index_cast %scan3A_13 : i32 to index
      %get3A_45 = arith.constant 16 : index
      %get3A_46 = tpu.vector_load %arg6[%get3A_44, %get3A_45] {strides = array<i32>} : memref<32x128xf32, #tpu.memory_space<vmem>>, vector<1x16xf32>,
      %get3A_47 = vector.shape_cast %get3A_46 : vector<1x16xf32> to vector<16xf32>
      %abs3A_48 = math.absf %get3A_47 : vector<16xf32>
      %neg3A_49 = arith.constant 0.000000e+00 : f32
      %neg3A_50 = vector.broadcast %neg3A_49 : f32 to vector<16xf32>
      %neg3A_51 = arith.subf %neg3A_50, %abs3A_48 : vector<16xf32>
      %exp3A_52 = math.exp %neg3A_51 : vector<16xf32>
      %add3A_53 = arith.constant 2.000000e+00 : f32
      %add3A_54 = vector.broadcast %add3A_53 : f32 to vector<16xf32>
      %add3A_55 = arith.addf %exp3A_52, %add3A_54 : vector<16xf32>
      %div3A_56 = arith.divf %exp3A_52, %add3A_55 : vector<16xf32>
      %mul3A_57 = arith.mulf %div3A_56, %div3A_56 : vector<16xf32>
      %mul3A_58 = arith.constant 2.000000e+00 : f32
      %mul3A_59 = vector.broadcast %mul3A_58 : f32 to vector<16xf32>
      %mul3A_60 = arith.mulf %mul3A_59, %div3A_56 : vector<16xf32>
      %mul3A_61 = arith.constant 2.000000e-01 : f32
      %mul3A_62 = vector.broadcast %mul3A_61 : f32 to vector<16xf32>
      %mul3A_63 = arith.mulf %mul3A_57, %mul3A_62 : vector<16xf32>
      %add3A_64 = arith.constant 0.333333343 : f32
      %add3A_65 = vector.broadcast %add3A_64 : f32 to vector<16xf32>
      %add3A_66 = arith.addf %add3A_65, %mul3A_63 : vector<16xf32>
      %mul3A_67 = arith.mulf %mul3A_57, %add3A_66 : vector<16xf32>
      %add3A_68 = arith.constant 1.000000e+00 : f32
      %add3A_69 = vector.broadcast %add3A_68 : f32 to vector<16xf32>
      %add3A_70 = arith.addf %add3A_69, %mul3A_67 : vector<16xf32>
      %mul3A_71 = arith.mulf %mul3A_60, %add3A_70 : vector<16xf32>
      %min3A_72 = arith.constant 0.000000e+00 : f32
      %min3A_73 = vector.broadcast %min3A_72 : f32 to vector<16xf32>
      %min3A_74 = arith.minimumf %get3A_47, %min3A_73 : vector<16xf32>
      %sub3A_75 = arith.subf %min3A_74, %mul3A_71 : vector<16xf32>
      %swap3A_76 = arith.index_cast %scan3A_13 : i32 to index
      %swap3A_77 = arith.constant 16 : index
      %swap3A_78 = tpu.vector_load %arg6[%swap3A_76, %swap3A_77] {strides = array<i32>} : memref<32x128xf32, #tpu.memory_space<vmem>>, vector<1x16xf32>,
      %swap3A_79 = vector.shape_cast %swap3A_78 : vector<1x16xf32> to vector<16xf32>
      %swap3A_80 = vector.shape_cast %sub3A_75 : vector<16xf32> to vector<1x16xf32>
      tpu.vector_store %arg6[%swap3A_76, %swap3A_77], %swap3A_80 {strides = array<i32>} : memref<32x128xf32, #tpu.memory_space<vmem>>, vector<1x16xf32>,
      %get3A_81 = arith.index_cast %scan3A_13 : i32 to index
      %get3A_82 = arith.constant 32 : index
      %get3A_83 = tpu.vector_load %arg6[%get3A_81, %get3A_82] {strides = array<i32>} : memref<32x128xf32, #tpu.memory_space<vmem>>, vector<1x16xf32>,
      %get3A_84 = vector.shape_cast %get3A_83 : vector<1x16xf32> to vector<16xf32>
      %abs3A_85 = math.absf %get3A_84 : vector<16xf32>
      %neg3A_86 = arith.constant 0.000000e+00 : f32
      %neg3A_87 = vector.broadcast %neg3A_86 : f32 to vector<16xf32>
      %neg3A_88 = arith.subf %neg3A_87, %abs3A_85 : vector<16xf32>
      %exp3A_89 = math.exp %neg3A_88 : vector<16xf32>
      %add3A_90 = arith.constant 2.000000e+00 : f32
      %add3A_91 = vector.broadcast %add3A_90 : f32 to vector<16xf32>
      %add3A_92 = arith.addf %exp3A_89, %add3A_91 : vector<16xf32>
      %div3A_93 = arith.divf %exp3A_89, %add3A_92 : vector<16xf32>
      %mul3A_94 = arith.mulf %div3A_93, %div3A_93 : vector<16xf32>
      %mul3A_95 = arith.constant 2.000000e+00 : f32
      %mul3A_96 = vector.broadcast %mul3A_95 : f32 to vector<16xf32>
      %mul3A_97 = arith.mulf %mul3A_96, %div3A_93 : vector<16xf32>
      %mul3A_98 = arith.constant 2.000000e-01 : f32
      %mul3A_99 = vector.broadcast %mul3A_98 : f32 to vector<16xf32>
      %mul3A_100 = arith.mulf %mul3A_94, %mul3A_99 : vector<16xf32>
      %add3A_101 = arith.constant 0.333333343 : f32
      %add3A_102 = vector.broadcast %add3A_101 : f32 to vector<16xf32>
      %add3A_103 = arith.addf %add3A_102, %mul3A_100 : vector<16xf32>
      %mul3A_104 = arith.mulf %mul3A_94, %add3A_103 : vector<16xf32>
      %add3A_105 = arith.constant 1.000000e+00 : f32
      %add3A_106 = vector.broadcast %add3A_105 : f32 to vector<16xf32>
      %add3A_107 = arith.addf %add3A_106, %mul3A_104 : vector<16xf32>
      %mul3A_108 = arith.mulf %mul3A_97, %add3A_107 : vector<16xf32>
      %min3A_109 = arith.constant 0.000000e+00 : f32
      %min3A_110 = vector.broadcast %min3A_109 : f32 to vector<16xf32>
      %min3A_111 = arith.minimumf %get3A_84, %min3A_110 : vector<16xf32>
      %sub3A_112 = arith.subf %min3A_111, %mul3A_108 : vector<16xf32>
      %swap3A_113 = arith.index_cast %scan3A_13 : i32 to index
      %swap3A_114 = arith.constant 32 : index
      %swap3A_115 = tpu.vector_load %arg6[%swap3A_113, %swap3A_114] {strides = array<i32>} : memref<32x128xf32, #tpu.memory_space<vmem>>, vector<1x16xf32>,
      %swap3A_116 = vector.shape_cast %swap3A_115 : vector<1x16xf32> to vector<16xf32>
      %swap3A_117 = vector.shape_cast %sub3A_112 : vector<16xf32> to vector<1x16xf32>
      tpu.vector_store %arg6[%swap3A_113, %swap3A_114], %swap3A_117 {strides = array<i32>} : memref<32x128xf32, #tpu.memory_space<vmem>>, vector<1x16xf32>,
      %get3A_118 = arith.index_cast %scan3A_13 : i32 to index
      %get3A_119 = arith.constant 48 : index
      %get3A_120 = tpu.vector_load %arg6[%get3A_118, %get3A_119] {strides = array<i32>} : memref<32x128xf32, #tpu.memory_space<vmem>>, vector<1x16xf32>,
      %get3A_121 = vector.shape_cast %get3A_120 : vector<1x16xf32> to vector<16xf32>
      %abs3A_122 = math.absf %get3A_121 : vector<16xf32>
      %neg3A_123 = arith.constant 0.000000e+00 : f32
      %neg3A_124 = vector.broadcast %neg3A_123 : f32 to vector<16xf32>
      %neg3A_125 = arith.subf %neg3A_124, %abs3A_122 : vector<16xf32>
      %exp3A_126 = math.exp %neg3A_125 : vector<16xf32>
      %add3A_127 = arith.constant 2.000000e+00 : f32
      %add3A_128 = vector.broadcast %add3A_127 : f32 to vector<16xf32>
      %add3A_129 = arith.addf %exp3A_126, %add3A_128 : vector<16xf32>
      %div3A_130 = arith.divf %exp3A_126, %add3A_129 : vector<16xf32>
      %mul3A_131 = arith.mulf %div3A_130, %div3A_130 : vector<16xf32>
      %mul3A_132 = arith.constant 2.000000e+00 : f32
      %mul3A_133 = vector.broadcast %mul3A_132 : f32 to vector<16xf32>
      %mul3A_134 = arith.mulf %mul3A_133, %div3A_130 : vector<16xf32>
      %mul3A_135 = arith.constant 2.000000e-01 : f32
      %mul3A_136 = vector.broadcast %mul3A_135 : f32 to vector<16xf32>
      %mul3A_137 = arith.mulf %mul3A_131, %mul3A_136 : vector<16xf32>
      %add3A_138 = arith.constant 0.333333343 : f32
      %add3A_139 = vector.broadcast %add3A_138 : f32 to vector<16xf32>
      %add3A_140 = arith.addf %add3A_139, %mul3A_137 : vector<16xf32>
      %mul3A_141 = arith.mulf %mul3A_131, %add3A_140 : vector<16xf32>
      %add3A_142 = arith.constant 1.000000e+00 : f32
      %add3A_143 = vector.broadcast %add3A_142 : f32 to vector<16xf32>
      %add3A_144 = arith.addf %add3A_143, %mul3A_141 : vector<16xf32>
      %mul3A_145 = arith.mulf %mul3A_134, %add3A_144 : vector<16xf32>
      %min3A_146 = arith.constant 0.000000e+00 : f32
      %min3A_147 = vector.broadcast %min3A_146 : f32 to vector<16xf32>
      %min3A_148 = arith.minimumf %get3A_121, %min3A_147 : vector<16xf32>
      %sub3A_149 = arith.subf %min3A_148, %mul3A_145 : vector<16xf32>
      %swap3A_150 = arith.index_cast %scan3A_13 : i32 to index
      %swap3A_151 = arith.constant 48 : index
      %swap3A_152 = tpu.vector_load %arg6[%swap3A_150, %swap3A_151] {strides = array<i32>} : memref<32x128xf32, #tpu.memory_space<vmem>>, vector<1x16xf32>,
      %swap3A_153 = vector.shape_cast %swap3A_152 : vector<1x16xf32> to vector<16xf32>
      %swap3A_154 = vector.shape_cast %sub3A_149 : vector<16xf32> to vector<1x16xf32>
      tpu.vector_store %arg6[%swap3A_150, %swap3A_151], %swap3A_154 {strides = array<i32>} : memref<32x128xf32, #tpu.memory_space<vmem>>, vector<1x16xf32>,
      %get3A_155 = arith.index_cast %scan3A_13 : i32 to index
      %get3A_156 = arith.constant 64 : index
      %get3A_157 = tpu.vector_load %arg6[%get3A_155, %get3A_156] {strides = array<i32>} : memref<32x128xf32, #tpu.memory_space<vmem>>, vector<1x16xf32>,
      %get3A_158 = vector.shape_cast %get3A_157 : vector<1x16xf32> to vector<16xf32>
      %abs3A_159 = math.absf %get3A_158 : vector<16xf32>
      %neg3A_160 = arith.constant 0.000000e+00 : f32
      %neg3A_161 = vector.broadcast %neg3A_160 : f32 to vector<16xf32>
      %neg3A_162 = arith.subf %neg3A_161, %abs3A_159 : vector<16xf32>
      %exp3A_163 = math.exp %neg3A_162 : vector<16xf32>
      %add3A_164 = arith.constant 2.000000e+00 : f32
      %add3A_165 = vector.broadcast %add3A_164 : f32 to vector<16xf32>
      %add3A_166 = arith.addf %exp3A_163, %add3A_165 : vector<16xf32>
      %div3A_167 = arith.divf %exp3A_163, %add3A_166 : vector<16xf32>
      %mul3A_168 = arith.mulf %div3A_167, %div3A_167 : vector<16xf32>
      %mul3A_169 = arith.constant 2.000000e+00 : f32
      %mul3A_170 = vector.broadcast %mul3A_169 : f32 to vector<16xf32>
      %mul3A_171 = arith.mulf %mul3A_170, %div3A_167 : vector<16xf32>
      %mul3A_172 = arith.constant 2.000000e-01 : f32
      %mul3A_173 = vector.broadcast %mul3A_172 : f32 to vector<16xf32>
      %mul3A_174 = arith.mulf %mul3A_168, %mul3A_173 : vector<16xf32>
      %add3A_175 = arith.constant 0.333333343 : f32
      %add3A_176 = vector.broadcast %add3A_175 : f32 to vector<16xf32>
      %add3A_177 = arith.addf %add3A_176, %mul3A_174 : vector<16xf32>
      %mul3A_178 = arith.mulf %mul3A_168, %add3A_177 : vector<16xf32>
      %add3A_179 = arith.constant 1.000000e+00 : f32
      %add3A_180 = vector.broadcast %add3A_179 : f32 to vector<16xf32>
      %add3A_181 = arith.addf %add3A_180, %mul3A_178 : vector<16xf32>
      %mul3A_182 = arith.mulf %mul3A_171, %add3A_181 : vector<16xf32>
      %min3A_183 = arith.constant 0.000000e+00 : f32
      %min3A_184 = vector.broadcast %min3A_183 : f32 to vector<16xf32>
      %min3A_185 = arith.minimumf %get3A_158, %min3A_184 : vector<16xf32>
      %sub3A_186 = arith.subf %min3A_185, %mul3A_182 : vector<16xf32>
      %swap3A_187 = arith.index_cast %scan3A_13 : i32 to index
      %swap3A_188 = arith.constant 64 : index
      %swap3A_189 = tpu.vector_load %arg6[%swap3A_187, %swap3A_188] {strides = array<i32>} : memref<32x128xf32, #tpu.memory_space<vmem>>, vector<1x16xf32>,
      %swap3A_190 = vector.shape_cast %swap3A_189 : vector<1x16xf32> to vector<16xf32>
      %swap3A_191 = vector.shape_cast %sub3A_186 : vector<16xf32> to vector<1x16xf32>
      tpu.vector_store %arg6[%swap3A_187, %swap3A_188], %swap3A_191 {strides = array<i32>} : memref<32x128xf32, #tpu.memory_space<vmem>>, vector<1x16xf32>,
      %get3A_192 = arith.index_cast %scan3A_13 : i32 to index
      %get3A_193 = arith.constant 80 : index
      %get3A_194 = tpu.vector_load %arg6[%get3A_192, %get3A_193] {strides = array<i32>} : memref<32x128xf32, #tpu.memory_space<vmem>>, vector<1x16xf32>,
      %get3A_195 = vector.shape_cast %get3A_194 : vector<1x16xf32> to vector<16xf32>
      %abs3A_196 = math.absf %get3A_195 : vector<16xf32>
      %neg3A_197 = arith.constant 0.000000e+00 : f32
      %neg3A_198 = vector.broadcast %neg3A_197 : f32 to vector<16xf32>
      %neg3A_199 = arith.subf %neg3A_198, %abs3A_196 : vector<16xf32>
      %exp3A_200 = math.exp %neg3A_199 : vector<16xf32>
      %add3A_201 = arith.constant 2.000000e+00 : f32
      %add3A_202 = vector.broadcast %add3A_201 : f32 to vector<16xf32>
      %add3A_203 = arith.addf %exp3A_200, %add3A_202 : vector<16xf32>
      %div3A_204 = arith.divf %exp3A_200, %add3A_203 : vector<16xf32>
      %mul3A_205 = arith.mulf %div3A_204, %div3A_204 : vector<16xf32>
      %mul3A_206 = arith.constant 2.000000e+00 : f32
      %mul3A_207 = vector.broadcast %mul3A_206 : f32 to vector<16xf32>
      %mul3A_208 = arith.mulf %mul3A_207, %div3A_204 : vector<16xf32>
      %mul3A_209 = arith.constant 2.000000e-01 : f32
      %mul3A_210 = vector.broadcast %mul3A_209 : f32 to vector<16xf32>
      %mul3A_211 = arith.mulf %mul3A_205, %mul3A_210 : vector<16xf32>
      %add3A_212 = arith.constant 0.333333343 : f32
      %add3A_213 = vector.broadcast %add3A_212 : f32 to vector<16xf32>
      %add3A_214 = arith.addf %add3A_213, %mul3A_211 : vector<16xf32>
      %mul3A_215 = arith.mulf %mul3A_205, %add3A_214 : vector<16xf32>
      %add3A_216 = arith.constant 1.000000e+00 : f32
      %add3A_217 = vector.broadcast %add3A_216 : f32 to vector<16xf32>
      %add3A_218 = arith.addf %add3A_217, %mul3A_215 : vector<16xf32>
      %mul3A_219 = arith.mulf %mul3A_208, %add3A_218 : vector<16xf32>
      %min3A_220 = arith.constant 0.000000e+00 : f32
      %min3A_221 = vector.broadcast %min3A_220 : f32 to vector<16xf32>
      %min3A_222 = arith.minimumf %get3A_195, %min3A_221 : vector<16xf32>
      %sub3A_223 = arith.subf %min3A_222, %mul3A_219 : vector<16xf32>
      %swap3A_224 = arith.index_cast %scan3A_13 : i32 to index
      %swap3A_225 = arith.constant 80 : index
      %swap3A_226 = tpu.vector_load %arg6[%swap3A_224, %swap3A_225] {strides = array<i32>} : memref<32x128xf32, #tpu.memory_space<vmem>>, vector<1x16xf32>,
      %swap3A_227 = vector.shape_cast %swap3A_226 : vector<1x16xf32> to vector<16xf32>
      %swap3A_228 = vector.shape_cast %sub3A_223 : vector<16xf32> to vector<1x16xf32>
      tpu.vector_store %arg6[%swap3A_224, %swap3A_225], %swap3A_228 {strides = array<i32>} : memref<32x128xf32, #tpu.memory_space<vmem>>, vector<1x16xf32>,
      %get3A_229 = arith.index_cast %scan3A_13 : i32 to index
      %get3A_230 = arith.constant 96 : index
      %get3A_231 = tpu.vector_load %arg6[%get3A_229, %get3A_230] {strides = array<i32>} : memref<32x128xf32, #tpu.memory_space<vmem>>, vector<1x16xf32>,
      %get3A_232 = vector.shape_cast %get3A_231 : vector<1x16xf32> to vector<16xf32>
      %abs3A_233 = math.absf %get3A_232 : vector<16xf32>
      %neg3A_234 = arith.constant 0.000000e+00 : f32
      %neg3A_235 = vector.broadcast %neg3A_234 : f32 to vector<16xf32>
      %neg3A_236 = arith.subf %neg3A_235, %abs3A_233 : vector<16xf32>
      %exp3A_237 = math.exp %neg3A_236 : vector<16xf32>
      %add3A_238 = arith.constant 2.000000e+00 : f32
      %add3A_239 = vector.broadcast %add3A_238 : f32 to vector<16xf32>
      %add3A_240 = arith.addf %exp3A_237, %add3A_239 : vector<16xf32>
      %div3A_241 = arith.divf %exp3A_237, %add3A_240 : vector<16xf32>
      %mul3A_242 = arith.mulf %div3A_241, %div3A_241 : vector<16xf32>
      %mul3A_243 = arith.constant 2.000000e+00 : f32
      %mul3A_244 = vector.broadcast %mul3A_243 : f32 to vector<16xf32>
      %mul3A_245 = arith.mulf %mul3A_244, %div3A_241 : vector<16xf32>
      %mul3A_246 = arith.constant 2.000000e-01 : f32
      %mul3A_247 = vector.broadcast %mul3A_246 : f32 to vector<16xf32>
      %mul3A_248 = arith.mulf %mul3A_242, %mul3A_247 : vector<16xf32>
      %add3A_249 = arith.constant 0.333333343 : f32
      %add3A_250 = vector.broadcast %add3A_249 : f32 to vector<16xf32>
      %add3A_251 = arith.addf %add3A_250, %mul3A_248 : vector<16xf32>
      %mul3A_252 = arith.mulf %mul3A_242, %add3A_251 : vector<16xf32>
      %add3A_253 = arith.constant 1.000000e+00 : f32
      %add3A_254 = vector.broadcast %add3A_253 : f32 to vector<16xf32>
      %add3A_255 = arith.addf %add3A_254, %mul3A_252 : vector<16xf32>
      %mul3A_256 = arith.mulf %mul3A_245, %add3A_255 : vector<16xf32>
      %min3A_257 = arith.constant 0.000000e+00 : f32
      %min3A_258 = vector.broadcast %min3A_257 : f32 to vector<16xf32>
      %min3A_259 = arith.minimumf %get3A_232, %min3A_258 : vector<16xf32>
      %sub3A_260 = arith.subf %min3A_259, %mul3A_256 : vector<16xf32>
      %swap3A_261 = arith.index_cast %scan3A_13 : i32 to index
      %swap3A_262 = arith.constant 96 : index
      %swap3A_263 = tpu.vector_load %arg6[%swap3A_261, %swap3A_262] {strides = array<i32>} : memref<32x128xf32, #tpu.memory_space<vmem>>, vector<1x16xf32>,
      %swap3A_264 = vector.shape_cast %swap3A_263 : vector<1x16xf32> to vector<16xf32>
      %swap3A_265 = vector.shape_cast %sub3A_260 : vector<16xf32> to vector<1x16xf32>
      tpu.vector_store %arg6[%swap3A_261, %swap3A_262], %swap3A_265 {strides = array<i32>} : memref<32x128xf32, #tpu.memory_space<vmem>>, vector<1x16xf32>,
      %get3A_266 = arith.index_cast %scan3A_13 : i32 to index
      %get3A_267 = arith.constant 112 : index
      %get3A_268 = tpu.vector_load %arg6[%get3A_266, %get3A_267] {strides = array<i32>} : memref<32x128xf32, #tpu.memory_space<vmem>>, vector<1x16xf32>,
      %get3A_269 = vector.shape_cast %get3A_268 : vector<1x16xf32> to vector<16xf32>
      %abs3A_270 = math.absf %get3A_269 : vector<16xf32>
      %neg3A_271 = arith.constant 0.000000e+00 : f32
      %neg3A_272 = vector.broadcast %neg3A_271 : f32 to vector<16xf32>
      %neg3A_273 = arith.subf %neg3A_272, %abs3A_270 : vector<16xf32>
      %exp3A_274 = math.exp %neg3A_273 : vector<16xf32>
      %add3A_275 = arith.constant 2.000000e+00 : f32
      %add3A_276 = vector.broadcast %add3A_275 : f32 to vector<16xf32>
      %add3A_277 = arith.addf %exp3A_274, %add3A_276 : vector<16xf32>
      %div3A_278 = arith.divf %exp3A_274, %add3A_277 : vector<16xf32>
      %mul3A_279 = arith.mulf %div3A_278, %div3A_278 : vector<16xf32>
      %mul3A_280 = arith.constant 2.000000e+00 : f32
      %mul3A_281 = vector.broadcast %mul3A_280 : f32 to vector<16xf32>
      %mul3A_282 = arith.mulf %mul3A_281, %div3A_278 : vector<16xf32>
      %mul3A_283 = arith.constant 2.000000e-01 : f32
      %mul3A_284 = vector.broadcast %mul3A_283 : f32 to vector<16xf32>
      %mul3A_285 = arith.mulf %mul3A_279, %mul3A_284 : vector<16xf32>
      %add3A_286 = arith.constant 0.333333343 : f32
      %add3A_287 = vector.broadcast %add3A_286 : f32 to vector<16xf32>
      %add3A_288 = arith.addf %add3A_287, %mul3A_285 : vector<16xf32>
      %mul3A_289 = arith.mulf %mul3A_279, %add3A_288 : vector<16xf32>
      %add3A_290 = arith.constant 1.000000e+00 : f32
      %add3A_291 = vector.broadcast %add3A_290 : f32 to vector<16xf32>
      %add3A_292 = arith.addf %add3A_291, %mul3A_289 : vector<16xf32>
      %mul3A_293 = arith.mulf %mul3A_282, %add3A_292 : vector<16xf32>
      %min3A_294 = arith.constant 0.000000e+00 : f32
      %min3A_295 = vector.broadcast %min3A_294 : f32 to vector<16xf32>
      %min3A_296 = arith.minimumf %get3A_269, %min3A_295 : vector<16xf32>
      %sub3A_297 = arith.subf %min3A_296, %mul3A_293 : vector<16xf32>
      %swap3A_298 = arith.index_cast %scan3A_13 : i32 to index
      %swap3A_299 = arith.constant 112 : index
      %swap3A_300 = tpu.vector_load %arg6[%swap3A_298, %swap3A_299] {strides = array<i32>} : memref<32x128xf32, #tpu.memory_space<vmem>>, vector<1x16xf32>,
      %swap3A_301 = vector.shape_cast %swap3A_300 : vector<1x16xf32> to vector<16xf32>
      %swap3A_302 = vector.shape_cast %sub3A_297 : vector<16xf32> to vector<1x16xf32>
      tpu.vector_store %arg6[%swap3A_298, %swap3A_299], %swap3A_302 {strides = array<i32>} : memref<32x128xf32, #tpu.memory_space<vmem>>, vector<1x16xf32>,
      %scan3A_303 = arith.constant 0 : i32
      scf.yield %scan3A_303 : i32
    }
    %scan3A_12 = arith.constant 32 : i32
    "tpu.region"() ({
      %run_scoped3A = tpu.sem_alloc : memref<!tpu.dma_semaphore, #tpu.memory_space<semaphore_mem>>
      %dma_start3A_13 = arith.constant 0 : i32
      %dma_start3A_14 = tpu.memref_slice %arg4[%mul3A_2, %dma_start3A_13] : memref<1024x128xf32, #tpu.memory_space<hbm>> -> memref<32x128xf32, #tpu.memory_space<hbm>>
      %dma_start3A_15 = arith.constant 0 : i32
      %dma_start3A_16 = tpu.memref_slice %arg4[%mul3A_2, %dma_start3A_15] : memref<1024x128xf32, #tpu.memory_space<hbm>> -> memref<32x128xf32, #tpu.memory_space<hbm>>
      tpu.enqueue_dma source(%arg6 : memref<32x128xf32, #tpu.memory_space<vmem>>) target(%dma_start3A_16 : memref<32x128xf32, #tpu.memory_space<hbm>>) target_semaphore(%run_scoped3A : memref<!tpu.dma_semaphore, #tpu.memory_space<semaphore_mem>>)
      %dma_wait3A_17 = arith.constant 0 : i32
      %dma_wait3A_18 = tpu.memref_slice %arg4[%mul3A_2, %dma_wait3A_17] : memref<1024x128xf32, #tpu.memory_space<hbm>> -> memref<32x128xf32, #tpu.memory_space<hbm>>
      %dma_wait3A_19 = arith.constant 0 : i32
      %dma_wait3A_20 = tpu.memref_slice %arg4[%mul3A_2, %dma_wait3A_19] : memref<1024x128xf32, #tpu.memory_space<hbm>> -> memref<32x128xf32, #tpu.memory_space<hbm>>
      tpu.wait_dma2 semaphore(%run_scoped3A : memref<!tpu.dma_semaphore, #tpu.memory_space<semaphore_mem>>) src(%arg6 : memref<32x128xf32, #tpu.memory_space<vmem>>) dst(%dma_wait3A_20 : memref<32x128xf32, #tpu.memory_space<hbm>>)
      tpu.yield
    }) : () -> ()
    return
  }
}

</mosaic_0001>

<sc_bundles>
// kernel: kernel.3.cloned.1.call-start
scs
__scs_entry_jumppad:
0x0: {  	(pc) =	sbr.rel $0x88, $3  }
0x1: {  	(tag) =	ssettag $0x0;
	lr =	simm.s32 $0x1  }
0x2: {  	[smem:$0x3F9F] =	sst lr;
	_ =	strace $0xD0000000  }
0x3: {  	_ = 	snop  }
0x4: {  	_ = 	snop  }
0x5: {  	_ = 	snop  }
0x6: {  	_ = 	snop  }
0x7: {  	_ = 	snop  }
__scs_overlays_trampoline_lowered:
0x8: {  	[smem:$0x3FAE] =	sst s0  }
0x9: {  	[smem:$0x3FAF] =	sst s1  }
0xa: {  	[smem:$0x3FB0] =	sst s2  }
0xb: {  	[smem:$0x3FB1] =	sst s3  }
0xc: {  	[smem:$0x3FB2] =	sst s4  }
0xd: {  	[smem:$0x3FB3] =	sst s5  }
0xe: {  	[smem:$0x3FB4] =	sst s6  }
0xf: {  	[smem:$0x3FB5] =	sst s7  }
0x10: {  	[smem:$0x3FB6] =	sst s8  }
0x11: {  	[smem:$0x3FB7] =	sst s9;
	s0 =	simm.s32 @!p0 $0x0  }
0x12: {  	s1 =	sld [smem:$0x3F9D];
	s0 =	simm.s32 @p0 $0x1  }
0x13: {  	[smem:$0x3FB8] =	sst s0;
	s0 =	simm.s32 @!p1 $0x0  }
0x14: {  	s2 =	sld [smem:$0x3F9C];
	s0 =	simm.s32 @p1 $0x1  }
0x15: {  	[smem:$0x3FB9] =	sst s0;
	s0 =	simm.s32 @!p2 $0x0  }
0x16: {  	s3 =	sld [smem:$0x3FDB];
	s0 =	simm.s32 @p2 $0x1  }
0x17: {  	s4 =	simm.s32 $0x1BF5;
	[smem:$0x3FBB] =	sst s0  }
0x18: {  	s0 =	sld [smem:$0x3F9E];
	_ =	swait.ge [sflag:s4], $0x0  }
0x19: {  	s7 =	sld [smem:$0x3F9F]  }
0x1a: {  	s8 =	sadd.s32 $0xFFFFE003, lr  }
0x1b: {  	s9 =	sadd.s32 $0xFFFFFEF7, lr;
	s5 =	simm.s32 $0xFFFFFFFF;
	p2 =	slt.u32 s8, $0xFFFFF086  }
0x1c: {  	p1 =	slt.u32 s9, $0xF7A;
	s5 =	simm.s32 @!p2 $0x0  }
0x1d: {  	s5 =	simm.s32 @p1 $0x1;
	p0 =	seq.s32 s7, s2  }
0x1e: {  	s7 =	smul.u32 @!p0 $0xF7A, s2;
	p2 =	seq.s32 @!p0 s5, $0x0  }
0x1f: {  	s9 =	smul.u32 $0xF7A, s1;
	s8 =	simm.s32 @!p0 $0x1BF5;
	p2 =	por !p2, p0  }
0x20: {  	[sflag:s8] =	ssyncset.s32 @!p0 $0xFFFFF086;
	s6 =	sadd.s32 @!p0 s3, s7;
	s7 =	simm.s32 @!p0 $0x108  }
0x21: {  	s3 =	sadd.s32 s3, s9;
	s6 =	sadd.s32 @!p0 $0x88, s6;
	s7 =	simm.s32 @p2 $0x1082  }
0x22: {  	[simem:s7], [sflag:s8] =	dma.local @!p0 [hbm:s6], $0xF7A  }
0x23: {  	s9 =	sor.u32 $0xD0000000, s2;
	s6 =	simm.s32 $0x108;
	_ =	swait.ge @!p0 [sflag:s8], $0x0  }
0x24: {  	s3 =	sadd.s32 $0x88, s3;
	s6 =	simm.s32 @!p1 $0x1082;
	[sflag:s4] =	ssyncset.s32 $0xFFFFF086  }
0x25: {  	[simem:s6], [sflag:s4] =	dma.local [hbm:s3], $0xF7A  }
0x26: {  	[smem:$0x3F9F] =	sst s1;
	(tag) =	ssettag s2;
	_ =	strace s9  }
0x27: {  	s1 =	sld [smem:$0x3FAF]  }
0x28: {  	s2 =	sld [smem:$0x3FB0]  }
0x29: {  	s4 =	sld [smem:$0x3FB2]  }
0x2a: {  	p0 =	seq.s32 s5, $0x0;
	s5 =	sld [smem:$0x3FB3]  }
0x2b: {  	s6 =	sld [smem:$0x3FB4]  }
0x2c: {  	s7 =	sld [smem:$0x3FB5]  }
0x2d: {  	s3 =	simm.s32 $0x108;
	s8 =	sld [smem:$0x3FB6]  }
0x2e: {  	s3 =	simm.s32 @!p0 $0x1082;
	s9 =	sld [smem:$0x3FB7]  }
0x2f: {  	lr =	sadd.s32 s0, s3;
	s0 =	sld [smem:$0x3FAE]  }
0x30: {  	s3 =	sld [smem:$0x3FB1]  }
0x31: {  	[smem:$0x3FBA] =	sst s10  }
0x32: {  	s10 =	sld [smem:$0x3FB8];
	_ =	sdelay $0x3  }
0x33: {  	p0 =	seq.s32 s10, $0x1;
	s10 =	sld [smem:$0x3FBA];
	_ =	sdelay $0x3  }
0x34: {  	[smem:$0x3FBA] =	sst s10  }
0x35: {  	s10 =	sld [smem:$0x3FB9];
	_ =	sdelay $0x3  }
0x36: {  	p1 =	seq.s32 s10, $0x1;
	s10 =	sld [smem:$0x3FBA];
	_ =	sdelay $0x3  }
0x37: {  	[smem:$0x3FBA] =	sst s10  }
0x38: {  	s10 =	sld [smem:$0x3FBB]  }
0x39: {  	_ = 	snop;
	(pc) =	sbr.ind lr, $3  }
0x3a: {  	_ = 	snop  }
0x3b: {  	_ = 	snop  }
0x3c: {  	p2 =	seq.s32 s10, $0x1;
	s10 =	sld [smem:$0x3FBA]  }
0x3d: {  	_ =	shalt  }
0x3e: {  	_ =	shalt  }
0x3f: {  	_ =	shalt  }
0x40: {  	_ =	shalt  }
0x41: {  	_ =	shalt  }
0x42: {  	_ =	shalt  }
0x43: {  	_ =	shalt  }
0x44: {  	_ =	shalt  }
0x45: {  	_ =	shalt  }
0x46: {  	_ =	shalt  }
0x47: {  	_ =	shalt  }
0x48: {  	_ =	shalt  }
0x49: {  	_ =	shalt  }
0x4a: {  	_ =	shalt  }
0x4b: {  	_ =	shalt  }
0x4c: {  	_ =	shalt  }
0x4d: {  	_ =	shalt  }
0x4e: {  	_ =	shalt  }
0x4f: {  	_ =	shalt  }
0x50: {  	_ =	shalt  }
0x51: {  	_ =	shalt  }
0x52: {  	_ =	shalt  }
0x53: {  	_ =	shalt  }
0x54: {  	_ =	shalt  }
0x55: {  	_ =	shalt  }
0x56: {  	_ =	shalt  }
0x57: {  	_ =	shalt  }
0x58: {  	_ =	shalt  }
0x59: {  	_ =	shalt  }
0x5a: {  	_ =	shalt  }
0x5b: {  	_ =	shalt  }
0x5c: {  	_ =	shalt  }
0x5d: {  	_ =	shalt  }
0x5e: {  	_ =	shalt  }
0x5f: {  	_ =	shalt  }
0x60: {  	_ =	shalt  }
0x61: {  	_ =	shalt  }
0x62: {  	_ =	shalt  }
0x63: {  	_ =	shalt  }
0x64: {  	_ =	shalt  }
0x65: {  	_ =	shalt  }
0x66: {  	_ =	shalt  }
0x67: {  	_ =	shalt  }
0x68: {  	_ =	shalt  }
0x69: {  	_ =	shalt  }
0x6a: {  	_ =	shalt  }
0x6b: {  	_ =	shalt  }
0x6c: {  	_ =	shalt  }
0x6d: {  	_ =	shalt  }
0x6e: {  	_ =	shalt  }
0x6f: {  	_ =	shalt  }
0x70: {  	_ =	shalt  }
0x71: {  	_ =	shalt  }
0x72: {  	_ =	shalt  }
0x73: {  	_ =	shalt  }
0x74: {  	_ =	shalt  }
0x75: {  	_ =	shalt  }
0x76: {  	_ =	shalt  }
0x77: {  	_ =	shalt  }
0x78: {  	_ =	shalt  }
0x79: {  	_ =	shalt  }
0x7a: {  	_ =	shalt  }
0x7b: {  	_ =	shalt  }
0x7c: {  	_ =	shalt  }
0x7d: {  	_ =	shalt  }
0x7e: {  	_ =	shalt  }
0x7f: {  	_ =	shalt  }
0x80: {  	_ =	shalt  }
0x81: {  	_ =	shalt  }
0x82: {  	_ =	shalt  }
0x83: {  	_ =	shalt  }
0x84: {  	_ =	shalt  }
0x85: {  	_ =	shalt  }
0x86: {  	_ =	shalt  }
0x87: {  	_ =	shalt  }
.Lfunc_end0:
.L_simem_size_0:
called_computation_lowered:
.L_overlay_start_0:
0x88: {  	s2 =	sld [smem:$0x3FD9]  }
0x89: {  	s3 =	sld [smem:$0x3FFE];
	_ =	sdelay $0x1  }
0x8a: {  	s1 =	srdreg.scid  }
0x8b: {  	s0 =	sand.u32 $0x1, s1  }
0x8c: {  	s18 =	sshll.u32 s0, $0xA;
	s2 =	sadd.s32 s3, s2  }
0x8d: {  	s2 =	sadd.s32 s2, s18  }
0x8e: {  	[smem:$0x3FC6] =	sst s2  }
0x8f: {  	_ = 	snop  }
0x90: {  	s2 =	sld [smem:$0x3FC9]  }
0x91: {  	s19 =	sld [smem:$0x3FC8]  }
0x92: {  	s4 =	sld [smem:$0x3FD0];
	(tm) =	ssettm $0x1  }
0x93: {  	s5 =	sld [smem:$0x3FFB];
	_ =	sdelay $0x3  }
0x94: {  	_ =	strace s5  }
0x95: {  	s5 =	sld [smem:$0x3FFC];
	_ =	sdelay $0x3  }
0x96: {  	_ =	strace s5  }
0x97: {  	s5 =	sld [smem:$0x3FFD];
	_ =	sdelay $0x3  }
0x98: {  	_ =	strace s5  }
0x99: {  	_ =	strace $0x8FFFFFFF  }
0x9a: {  	s20 =	sld [smem:$0x3FDB];
	_ =	sdelay $0x1  }
0x9b: {  	s6 =	simm.s32 $_scs_section_size  }
0x9c: {  	s7 =	simm.s32 $_size__tile_overlayer_lowered;
	s8 =	simm.s32 $_tile_overlayer_lowered  }
0x9d: {  	s23 =	simm.s32 $0x1BFF;
	s22 =	sshll.u32 s8, $0x1;
	s5 =	sadd.s32 s6, s20  }
0x9e: {  	s9 =	simm.s32 $0x0;
	s21 =	sshll.u32 s7, $0x1;
	s7 =	sadd.s32 s22, s5  }
0x9f: {  	[timem:s9], [sflag:s23] =	dma.local [hbm:s7], s21  }
0xa0: {  	_ =	swait.ge [sflag:s23], s21  }
0xa1: {  	s6 =	ssub.s32 $0x0, s21;
	[sflag:s23] =	ssyncset.done $0x0  }
0xa2: {  	[sflag:s23] =	ssyncadd.s32 s6;
	_ =	sdelay $0x1  }
0xa3: {  	s24 =	simm.s32 $0x1B8B  }
0xa4: {  	_ =	swait.ge [sflag:s24], $0x1  }
0xa5: {  	[sflag:s24] =	ssyncset.done $0x0  }
0xa6: {  	s25 =	simm.s32 $0x1B8E;
	[sflag:s24] =	ssyncadd.s32 $0xFFFFFFFF  }
0xa7: {  	s26 =	simm.s32 $execute0_lowered;
	[smem:$0x3FD2] =	sst s25  }
0xa8: {  	s6 =	sshll.u32 s26, $0x1;
	_ =	strace $0x80000046;
	[dreg:$0x1] =	wrdreg $0xFFFFFFFF  }
0xa9: {  	s28 =	simm.s32 $_size_execute0_lowered;
	s5 =	sadd.s32 s5, s6;
	[dreg:$0x0] =	wrdreg $0x0  }
0xaa: {  	s6 =	sshll.u32 s28, $0x1;
	[dreg:$0x2] =	wrdreg s5  }
0xab: {  	[dreg:$0x3] =	wrdreg s6  }
0xac: {  	[dreg:$0x4] =	wrdreg $0xC0  }
0xad: {  	_ =	task [dreg:s9], $0x5FFFF  }
0xae: {  	[dreg:$0x1] =	wrdreg $0xFFFFFFFF  }
0xaf: {  	[dreg:$0x0] =	wrdreg $0x60  }
0xb0: {  	[dreg:$0x2] =	wrdreg s2  }
0xb1: {  	[dreg:$0x3] =	wrdreg s19  }
0xb2: {  	[dreg:$0x4] =	wrdreg s4  }
0xb3: {  	[dreg:$0x5] =	wrdreg $0x9  }
0xb4: {  	_ =	task.clear_ibuf [dreg:s9], $0x6FFFF;
	_ =	strace $0x90000046  }
0xb5: {  	s29 =	simm.s32 $0x9;
	_ =	strace $0x80000048  }
0xb6: {  	_ =	swait.ge [sflag:s29], $0x1  }
0xb7: {  	[sflag:s29] =	ssyncadd.s32 $0xFFFFFFFF  }
0xb8: {  	_ =	strace $0x90000048  }
0xb9: {  	_ =	sfence  }
0xba: {  	s30 =	sld [smem:$0x0];
	_ =	sdelay $0x2  }
0xbb: {  	s31 =	sshll.u32 s1, $0xD;
	s1 =	sshrl.u32 s1, $0x2  }
0xbc: {  	s3 =	sand.u32 $0x4000, s31;
	s1 =	sadd.s32 s1, s30  }
0xbd: {  	s0 =	sor.u32 s3, s0;
	s1 =	sshll.u32 s1, $0x11  }
0xbe: {  	s0 =	sor.u32 s1, s0  }
0xbf: {  	s0 =	sadd.s32 $0x8F2B, s0  }
0xc0: {  	[sflag:s0] =	ssyncadd.remote.s32 $0x1  }
0xc1: {  	_ =	sfence.sel $0xFFFF  }
0xc2: {  	[dreg:$0x0] =	wrdreg $0xFFFFFFFF;
	(pc) =	sbr.abs _section_cstart, $3  }
0xc3: {  	[dreg:$0x1] =	wrdreg $0xFFFFFFFF  }
0xc4: {  	_ =	task.clear_ibuf [dreg:s9], $0x2FFFF;
	_ =	strace $0x9FFFFFFF  }
0xc5: {  	(tm) =	ssettm $0x7FFFFFFF  }
tec
execute0_lowered:
.L_overlay_start_1:
0x0: {  	(tag) =	ssettag $0x1  }
0x1: {  	s4 =	rddreg [dreg:$0x0]  }
0x2: {  	s1 =	rddreg [dreg:$0x1]  }
0x3: {  	s5 =	rddreg [dreg:$0x2]  }
0x4: {  	s0 =	rddreg [dreg:$0x3];
	s6 =	srdreg.scid  }
0x5: {  	s3 =	simm.s32 $0x0;
	s2 =	stileid.u32;
	s10 =	simm.s32 $0x1  }
0x6: {  	s11 =	simm.s32 $0x0;
	s6 =	sand.u32 $0x1, s6;
	[smem:$0x7FF] =	sst s3  }
0x7: {  	s7 =	sshll.u32 s2, $0x6;
	s8 =	sshll.u32 s6, $0x5;
	s6 =	ssub.s32 $0x2, s6  }
0x8: {  	_ =	strace $0x80000047;
	s7 =	sor.u32 s8, s7;
	s31 =	sshrl.u32 s6, $0x1  }
0x9: {  	s8 =	simm.s32 $0x20;
	s9 =	sshrl.u32 s7, $0x3;
	s7 =	sshll.u32 s7, $0x4  }
0xa: {  	s6 =	ssub.s32 s6, s31;
	s4 =	sadd.s32 s4, s9;
	s5 =	sadd.s32 s5, s7  }
0xb: {  	s6 =	smax.u32 s6, $0x1;
	s7 =	simm.s32 $0x2;
	s9 =	simm.s32 $0x80  }
.LBB2_1:
0xc: {  	[tilespmem:s3], [sflag:$0x2] =	stream.linear.gather [hbm4b:s4+s3], $0x20, $0x38;
	[tilespmem:$0x1080] =	vst v63  }
0xd: {  	_ =	swait.ge [sflag:s7], $0x20  }
0xe: {  	[sflag:s7] =	ssyncset.done $0x0  }
0xf: {  	[sflag:s7] =	ssyncadd.s32 $0xFFFFFFE0  }
0x10: {  	[tilespmem:s9], [sflag:$0x1] =	stream.indirect.gather [hbm4b:s1+s8], $0x80, s3, s8, $0xb8;
	[tilespmem:$0x1080] =	vst v63  }
0x11: {  	_ =	swait.ge [sflag:s10], $0x1000  }
0x12: {  	[sflag:s10] =	ssyncset.done $0x0  }
0x13: {  	s12 =	simm.s32 $0x0;
	[sflag:s10] =	ssyncadd.s32 $0xFFFFF000  }
0x14: {  	v4 =	vld [tilespmem:s12+$0xF0];
	_ =	sdelay $0x4  }
0x15: {  	v0 =	vand.u32 $0x7FFFFFFF, v4  }
0x16: {  	v0 =	vsub.f32 $0.0e+00, v0  }
0x17: {  	v5 =	vld [tilespmem:s12+$0xA0]  }
0x18: {  	v0 =	vmul.f32 $1.442695020e+00, v0;
	_ =	sdelay $0x1  }
0x19: {  	(erf) = vpow2.f32 v0  }
0x1a: {  	v3 =	vld [tilespmem:s12+$0x90]  }
0x1b: {  	v0 =	vand.u32 $0x7FFFFFFF, v5  }
0x1c: {  	v0 =	vsub.f32 $0.0e+00, v0;
	_ =	sdelay $0x1  }
0x1d: {  	v0 =	vmul.f32 $1.442695020e+00, v0  }
0x1e: {  	v1 =	vand.u32 $0x7FFFFFFF, v3  }
0x1f: {  	v6 =	vld [tilespmem:s12+$0x80];
	v1 =	vsub.f32 $0.0e+00, v1;
	(erf) = vpow2.f32 v0;
	_ =	sdelay $0x1  }
0x20: {  	v8 =	vmul.f32 $1.442695020e+00, v1;
	v2 =	vpop (erf)  }
0x21: {  	v7 =	vld [tilespmem:s12+$0xD0];
	v9 =	vadd.f32 $2.000000000e+00, v2  }
0x22: {  	(erf) = vpow2.f32 v8  }
0x23: {  	v1 =	vld [tilespmem:s12+$0xC0];
	v0 =	vand.u32 $0x7FFFFFFF, v6;
	(erf) = vrcp.f32 v9  }
0x24: {  	v0 =	vsub.f32 $0.0e+00, v0;
	_ =	sdelay $0x1  }
0x25: {  	v8 =	vmul.f32 $1.442695020e+00, v0;
	v9 =	vand.u32 $0x7FFFFFFF, v7  }
0x26: {  	v9 =	vsub.f32 $0.0e+00, v9;
	v10 =	vpop (erf)  }
0x27: {  	v0 =	vld [tilespmem:s12+$0xB0];
	(erf) = vpow2.f32 v8;
	v8 =	vand.u32 $0x7FFFFFFF, v1;
	v11 =	vadd.f32 $2.000000000e+00, v10  }
0x28: {  	v8 =	vsub.f32 $0.0e+00, v8;
	v9 =	vmul.f32 $1.442695020e+00, v9;
	_ =	sdelay $0x1  }
0x29: {  	v12 =	vpop (erf);
	v8 =	vmul.f32 $1.442695020e+00, v8;
	(erf) = vpow2.f32 v9  }
0x2a: {  	(erf) = vrcp.f32 v11;
	v11 =	vpop (erf)  }
0x2b: {  	v9 =	vand.u32 $0x7FFFFFFF, v0;
	(erf) = vpow2.f32 v8;
	v13 =	vmul.f32 v11, v2  }
0x2c: {  	v9 =	vsub.f32 $0.0e+00, v9  }
0x2d: {  	v8 =	vadd.f32 $2.000000000e+00, v12;
	v14 =	vmul.f32 v13, v13  }
0x2e: {  	v9 =	vmul.f32 $1.442695020e+00, v9  }
0x2f: {  	(erf) = vrcp.f32 v8;
	v18 =	vpop (erf);
	v8 =	vmul.f32 $2.000000030e-01, v14  }
0x30: {  	(erf) = vpow2.f32 v9;
	v2 =	vadd.f32 $2.000000000e+00, v18;
	_ =	sdelay $0x1  }
0x31: {  	(erf) = vrcp.f32 v2;
	v9 =	vpop (erf)  }
0x32: {  	v2 =	vadd.f32 $2.000000000e+00, v9;
	v15 =	vadd.f32 $3.333333430e-01, v8;
	v8 =	vpop (erf)  }
0x33: {  	v11 =	vmul.f32 v8, v10;
	v8 =	vpop (erf)  }
0x34: {  	(erf) = vrcp.f32 v2;
	v10 =	vadd.f32 $2.000000000e+00, v8  }
0x35: {  	v14 =	vmul.f32 v15, v14;
	v2 =	vld [tilespmem:s12+$0xE0]  }
0x36: {  	v19 =	vmin.f32 v4, $0.0e+00;
	v13 =	vadd.f32 v13, v13;
	v15 =	vmul.f32 v11, v11  }
0x37: {  	v4 =	vmin.f32 v7, $0.0e+00;
	v14 =	vadd.f32 $1.000000000e+00, v14;
	v7 =	vpop (erf);
	(erf) = vrcp.f32 v10  }
0x38: {  	v6 =	vmin.f32 v6, $0.0e+00;
	v12 =	vmul.f32 v7, v12;
	v16 =	vmul.f32 $2.000000030e-01, v15;
	v10 =	vpop (erf)  }
0x39: {  	v7 =	vmin.f32 v5, $0.0e+00;
	v5 =	vmul.f32 v14, v13;
	v20 =	vadd.f32 $2.000000000e+00, v10  }
0x3a: {  	v14 =	vmul.f32 v12, v12;
	v17 =	vand.u32 $0x7FFFFFFF, v2;
	v16 =	vadd.f32 $3.333333430e-01, v16;
	v13 =	vpop (erf)  }
0x3b: {  	s13 =	simm.s32 $0x200;
	v5 =	vsub.f32 v19, v5;
	v13 =	vmul.f32 v13, v18;
	(erf) = vrcp.f32 v20  }
.LBB2_2:
0x3c: {  	p0 =	sne.s32 s13, $0x3E00;
	v3 =	vmin.f32 v3, $0.0e+00;
	v15 =	vmul.f32 v16, v15;
	v16 =	vsub.f32 $0.0e+00, v17;
	s14 =	smov.u32 s13;
	s13 =	sadd.s32 $0x200, s13  }
0x3d: {  	v18 =	vmul.f32 $2.000000030e-01, v14;
	v11 =	vadd.f32 v11, v11;
	s14 =	sshra.s32 s14, $0x2;
	v17 =	vmul.f32 v13, v13;
	[tilespmem:s12+$0xF0] =	vst v5;
	v19 =	vpop (erf)  }
0x3e: {  	v5 =	vld [tilespmem:s14+$0xF0];
	v15 =	vadd.f32 $1.000000000e+00, v15;
	v9 =	vmul.f32 v19, v9;
	v16 =	vmul.f32 $1.442695020e+00, v16  }
0x3f: {  	v12 =	vadd.f32 v12, v12;
	v18 =	vadd.f32 $3.333333430e-01, v18;
	v19 =	vmul.f32 $2.000000030e-01, v17  }
0x40: {  	v11 =	vmul.f32 v15, v11;
	v15 =	vadd.f32 v9, v9;
	v20 =	vpop (erf);
	(erf) = vpow2.f32 v16  }
0x41: {  	v14 =	vmul.f32 v18, v14;
	v9 =	vmul.f32 v9, v9;
	v16 =	vadd.f32 $3.333333430e-01, v19  }
0x42: {  	v13 =	vadd.f32 v13, v13;
	v8 =	vmul.f32 v20, v8;
	v19 =	vsub.f32 v7, v11  }
0x43: {  	v14 =	vadd.f32 $1.000000000e+00, v14;
	v18 =	vmul.f32 $2.000000030e-01, v9;
	v11 =	vand.u32 $0x7FFFFFFF, v5  }
0x44: {  	v16 =	vmul.f32 v16, v17;
	v17 =	vmul.f32 v8, v8;
	v11 =	vsub.f32 $0.0e+00, v11;
	[tilespmem:s12+$0xA0] =	vst v19;
	v7 =	vpop (erf)  }
0x45: {  	v12 =	vmul.f32 v14, v12;
	v14 =	vadd.f32 $3.333333430e-01, v18;
	v10 =	vmul.f32 v7, v10  }
0x46: {  	v19 =	vadd.f32 $1.000000000e+00, v16;
	v18 =	vmul.f32 $2.000000030e-01, v17;
	v7 =	vld [tilespmem:s14+$0xA0];
	v11 =	vmul.f32 $1.442695020e+00, v11  }
0x47: {  	v3 =	vsub.f32 v3, v12;
	v9 =	vmul.f32 v14, v9;
	v12 =	vmul.f32 v10, v10  }
0x48: {  	(erf) = vpow2.f32 v11;
	v11 =	vmul.f32 v19, v13;
	v13 =	vadd.f32 $3.333333430e-01, v18  }
0x49: {  	v8 =	vadd.f32 v8, v8;
	v9 =	vadd.f32 $1.000000000e+00, v9;
	[tilespmem:s12+$0x90] =	vst v3;
	v14 =	vmul.f32 $2.000000030e-01, v12;
	v16 =	vpop (erf)  }
0x4a: {  	v3 =	vld [tilespmem:s14+$0x90];
	v6 =	vsub.f32 v6, v11;
	v11 =	vmul.f32 v13, v17;
	v13 =	vadd.f32 $2.000000000e+00, v16  }
0x4b: {  	v9 =	vmul.f32 v9, v15;
	v17 =	vand.u32 $0x7FFFFFFF, v7;
	v14 =	vadd.f32 $3.333333430e-01, v14  }
0x4c: {  	v15 =	vsub.f32 $0.0e+00, v17;
	[tilespmem:s12+$0x80] =	vst v6;
	v6 =	vadd.f32 $1.000000000e+00, v11;
	(erf) = vrcp.f32 v13  }
0x4d: {  	v1 =	vmin.f32 v1, $0.0e+00;
	v4 =	vsub.f32 v4, v9;
	v13 =	vld [tilespmem:s14+$0x80];
	v11 =	vmul.f32 v14, v12  }
0x4e: {  	v10 =	vadd.f32 v10, v10;
	v9 =	vmul.f32 $1.442695020e+00, v15;
	v14 =	vmul.f32 v6, v8  }
0x4f: {  	v8 =	vand.u32 $0x7FFFFFFF, v3;
	v11 =	vadd.f32 $1.000000000e+00, v11;
	[tilespmem:s12+$0xD0] =	vst v4  }
0x50: {  	v4 =	vsub.f32 $0.0e+00, v8;
	v12 =	vld [tilespmem:s14+$0xD0];
	(erf) = vpow2.f32 v9;
	v1 =	vsub.f32 v1, v14  }
0x51: {  	v0 =	vmin.f32 v0, $0.0e+00;
	v6 =	vpop (erf);
	v8 =	vmul.f32 v11, v10  }
0x52: {  	v9 =	vand.u32 $0x7FFFFFFF, v13;
	v4 =	vmul.f32 $1.442695020e+00, v4;
	v10 =	vadd.f32 $2.000000000e+00, v6;
	[tilespmem:s12+$0xC0] =	vst v1  }
0x53: {  	v11 =	vsub.f32 $0.0e+00, v9;
	v1 =	vld [tilespmem:s14+$0xC0];
	v0 =	vsub.f32 v0, v8  }
0x54: {  	(erf) = vpow2.f32 v4  }
0x55: {  	v4 =	vmul.f32 $1.442695020e+00, v11;
	v8 =	vand.u32 $0x7FFFFFFF, v12;
	(erf) = vrcp.f32 v10;
	[tilespmem:s12+$0xB0] =	vst v0;
	v9 =	vpop (erf)  }
0x56: {  	v0 =	vld [tilespmem:s14+$0xB0];
	v8 =	vsub.f32 $0.0e+00, v8;
	v9 =	vmul.f32 v9, v16  }
0x57: {  	(erf) = vpow2.f32 v4  }
0x58: {  	v4 =	vand.u32 $0x7FFFFFFF, v1;
	v8 =	vmul.f32 $1.442695020e+00, v8;
	v10 =	vmul.f32 v9, v9  }
0x59: {  	v4 =	vsub.f32 $0.0e+00, v4;
	v11 =	vpop (erf)  }
0x5a: {  	v16 =	vadd.f32 $2.000000000e+00, v11;
	(erf) = vpow2.f32 v8;
	v8 =	vmul.f32 $2.000000030e-01, v10  }
0x5b: {  	v15 =	vand.u32 $0x7FFFFFFF, v0;
	v4 =	vmul.f32 $1.442695020e+00, v4  }
0x5c: {  	v15 =	vsub.f32 $0.0e+00, v15;
	(erf) = vrcp.f32 v16;
	v8 =	vadd.f32 $3.333333430e-01, v8  }
0x5d: {  	v14 =	vpop (erf);
	(erf) = vpow2.f32 v4  }
0x5e: {  	v4 =	vadd.f32 $2.000000000e+00, v14;
	v15 =	vmul.f32 $1.442695020e+00, v15;
	v16 =	vpop (erf);
	v8 =	vmul.f32 v8, v10  }
0x5f: {  	v6 =	vmul.f32 v16, v6  }
0x60: {  	v18 =	vpop (erf);
	(erf) = vrcp.f32 v4;
	v4 =	vadd.f32 v9, v9;
	v8 =	vadd.f32 $1.000000000e+00, v8  }
0x61: {  	v16 =	vadd.f32 $2.000000000e+00, v18;
	v10 =	vmul.f32 v6, v6;
	(erf) = vpow2.f32 v15  }
0x62: {  	v2 =	vmin.f32 v2, $0.0e+00;
	v4 =	vmul.f32 v8, v4  }
0x63: {  	v17 =	vmul.f32 $2.000000030e-01, v10;
	(erf) = vrcp.f32 v16;
	v9 =	vpop (erf)  }
0x64: {  	v15 =	vadd.f32 $2.000000000e+00, v9;
	v2 =	vsub.f32 v2, v4  }
0x65: {  	v4 =	vadd.f32 $3.333333430e-01, v17;
	v8 =	vpop (erf)  }
0x66: {  	v11 =	vmul.f32 v8, v11;
	v8 =	vpop (erf);
	(erf) = vrcp.f32 v15;
	[tilespmem:s12+$0xE0] =	vst v2;
	s12 =	smov.u32 s14  }
0x67: {  	v16 =	vadd.f32 $2.000000000e+00, v8;
	v2 =	vld [tilespmem:s12+$0xE0];
	v20 =	vmul.f32 v4, v10  }
0x68: {  	v5 =	vmin.f32 v5, $0.0e+00;
	v17 =	vadd.f32 v6, v6;
	v15 =	vmul.f32 v11, v11  }
.Ltmp0:
0x69: {  	v4 =	vmin.f32 v12, $0.0e+00;
	v19 =	vadd.f32 $1.000000000e+00, v20;
	v10 =	vpop (erf);
	(erf) = vrcp.f32 v16;
	(pc) =	sbr.rel @p0 .LBB2_2-.Ltmp0, $4  }
0x6a: {  	v6 =	vmin.f32 v13, $0.0e+00;
	v12 =	vmul.f32 v10, v14;
	v21 =	vmul.f32 $2.000000030e-01, v15;
	v10 =	vpop (erf)  }
0x6b: {  	v7 =	vmin.f32 v7, $0.0e+00;
	v20 =	vadd.f32 $2.000000000e+00, v10;
	v19 =	vmul.f32 v19, v17  }
0x6c: {  	v14 =	vmul.f32 v12, v12;
	v16 =	vadd.f32 $3.333333430e-01, v21;
	v17 =	vand.u32 $0x7FFFFFFF, v2;
	v13 =	vpop (erf)  }
0x6d: {  	v13 =	vmul.f32 v13, v18;
	v5 =	vsub.f32 v5, v19;
	(erf) = vrcp.f32 v20  }
0x6e: {  	v17 =	vsub.f32 $0.0e+00, v17;
	_ =	sdelay $0x1  }
0x6f: {  	v17 =	vmul.f32 $1.442695020e+00, v17;
	_ =	sdelay $0x1  }
0x70: {  	(erf) = vpow2.f32 v17;
	_ =	sdelay $0x5  }
0x71: {  	v39 =	vpop (erf)  }
0x72: {  	v18 =	vpop (erf)  }
0x73: {  	v19 =	vpop (erf)  }
0x74: {  	v20 =	vpop (erf)  }
0x75: {  	v21 =	vadd.f32 $2.000000000e+00, v20;
	_ =	sdelay $0x1  }
0x76: {  	(erf) = vrcp.f32 v21;
	_ =	sdelay $0x1  }
0x77: {  	v40 =	vmul.f32 v13, v13  }
0x78: {  	v15 =	vmul.f32 v16, v15  }
0x79: {  	v11 =	vadd.f32 v11, v11;
	v9 =	vmul.f32 v39, v9;
	v42 =	vmul.f32 $2.000000030e-01, v40  }
0x7a: {  	v41 =	vmul.f32 $2.000000030e-01, v14;
	v12 =	vadd.f32 v12, v12;
	v15 =	vadd.f32 $1.000000000e+00, v15  }
0x7b: {  	v3 =	vmin.f32 v3, $0.0e+00;
	v22 =	vmul.f32 v9, v9;
	v43 =	vadd.f32 $3.333333430e-01, v42  }
0x7c: {  	v47 =	vadd.f32 v13, v13;
	v11 =	vmul.f32 v15, v11;
	v8 =	vmul.f32 v18, v8  }
0x7d: {  	v45 =	vmul.f32 $2.000000030e-01, v22;
	v15 =	vmul.f32 v43, v40;
	v21 =	vadd.f32 $3.333333430e-01, v41  }
0x7e: {  	v9 =	vadd.f32 v9, v9;
	v18 =	vmul.f32 v8, v8;
	v10 =	vmul.f32 v19, v10;
	v46 =	vpop (erf)  }
0x7f: {  	v7 =	vsub.f32 v7, v11;
	v44 =	vmul.f32 v21, v14;
	v16 =	vmul.f32 v46, v20  }
0x80: {  	v17 =	vadd.f32 $3.333333430e-01, v45;
	v49 =	vmul.f32 $2.000000030e-01, v18;
	v48 =	vmul.f32 v10, v10  }
0x81: {  	v8 =	vadd.f32 v8, v8;
	v14 =	vadd.f32 $1.000000000e+00, v44;
	v50 =	vmul.f32 v16, v16  }
0x82: {  	v17 =	vmul.f32 v17, v22;
	v11 =	vadd.f32 $3.333333430e-01, v49;
	v51 =	vmul.f32 $2.000000030e-01, v48  }
0x83: {  	v15 =	vadd.f32 $1.000000000e+00, v15;
	v12 =	vmul.f32 v14, v12;
	v52 =	vmul.f32 $2.000000030e-01, v50  }
0x84: {  	v17 =	vadd.f32 $1.000000000e+00, v17;
	v11 =	vmul.f32 v11, v18;
	v53 =	vadd.f32 $3.333333430e-01, v51  }
0x85: {  	v13 =	vmul.f32 v15, v47;
	v3 =	vsub.f32 v3, v12;
	v12 =	vadd.f32 $3.333333430e-01, v52  }
0x86: {  	v54 =	vmul.f32 v17, v9;
	v11 =	vadd.f32 $1.000000000e+00, v11;
	v14 =	vmul.f32 v53, v48  }
0x87: {  	v55 =	vadd.f32 v10, v10;
	v6 =	vsub.f32 v6, v13;
	v12 =	vmul.f32 v12, v50  }
0x88: {  	[tilespmem:s12+$0xF0] =	vst v5;
	v60 =	vsub.f32 v4, v54;
	v57 =	vmul.f32 v11, v8;
	v56 =	vadd.f32 $1.000000000e+00, v14  }
0x89: {  	v1 =	vmin.f32 v1, $0.0e+00;
	[tilespmem:s12+$0xA0] =	vst v7;
	v58 =	vadd.f32 v16, v16;
	v59 =	vadd.f32 $1.000000000e+00, v12  }
0x8a: {  	[tilespmem:s12+$0x80] =	vst v6;
	v1 =	vsub.f32 v1, v57;
	v61 =	vmul.f32 v56, v55  }
0x8b: {  	v0 =	vmin.f32 v0, $0.0e+00;
	[tilespmem:s12+$0xD0] =	vst v60;
	v62 =	vmul.f32 v59, v58  }
0x8c: {  	v2 =	vmin.f32 v2, $0.0e+00;
	[tilespmem:s12+$0xC0] =	vst v1;
	v0 =	vsub.f32 v0, v61  }
0x8d: {  	s11 =	sadd.s32 $0x1, s11;
	[tilespmem:s12+$0x90] =	vst v3;
	v63 =	vsub.f32 v2, v62  }
0x8e: {  	p0 =	sne.s32 s11, s6;
	[tilespmem:s12+$0xB0] =	vst v0  }
.Ltmp1:
0x8f: {  	[tilespmem:s12+$0xE0] =	vst v63;
	(pc) =	sbr.rel @p0 .LBB2_1-.Ltmp1, $4  }
0x90: {  	[hbm4b:s5+s3] =	stream.linear.scatter [tilespmem:s9], [sflag:$0x2], $0x1000, $0x38;
	[tilespmem:$0x1080] =	vst v63  }
0x91: {  	_ =	swait.ge [sflag:s7], $0x1000  }
0x92: {  	[sflag:s7] =	ssyncset.done $0x0  }
0x93: {  	[sflag:s7] =	ssyncadd.s32 $0xFFFFF000  }
0x94: {  	_ =	sfence.sel $0x180000  }
0x95: {  	[bflag:$0x0] =	sbarrier.arrive $0xFFFF  }
0x96: {  	p0 =	sne.s32 s2, $0x0;
	_ =	strace $0x90000047  }
0x97: {  	s0 =	sadd.s32 @!p0 $0x100000, s0;
	[bflag:$0x2] =	sbarrier.arrive $0xFFFF  }
0x98: {  	[sflag:s0] =	ssyncadd.tile.s32 @!p0 $0x1;
	_ =	shalt  }
.Lfunc_end2:
_tile_overlayer_lowered:
.L_overlay_start_2:
0x99: {  	(tag) =	ssettag $0x2  }
0x9a: {  	s0 =	rddreg [dreg:$0x0];
	s2 =	stileid.u32  }
0x9b: {  	s1 =	rddreg [dreg:$0x1];
	p0 =	sne.s32 s2, $0x0  }
0x9c: {  	s3 =	rddreg [dreg:$0x2];
	[bflag:$0x3] =	sbarrier.arrive $0xFFFF;
	s2 =	simm.s32 @!p0 $0x1C02  }
0x9d: {  	[timem:s3], [sflag:s2] =	dma.local @!p0 [hbm:s0], s1  }
0x9e: {  	s0 =	simm.s32 @!p0 $0x2  }
0x9f: {  	_ =	swait.ge @!p0 [sflag:s0], s1  }
0xa0: {  	s1 =	ssub.s32 @!p0 $0x0, s1;
	[sflag:s0] =	ssyncset.done @!p0 $0x0  }
0xa1: {  	[sflag:s0] =	ssyncadd.s32 @!p0 s1  }
0xa2: {  	[bflag:$0x3] =	sbarrier.arrive $0xFFFF  }
0xa3: {  	_ =	shalt  }

</sc_bundles>
